<compile_context>
chip_gen: v7x
topology: tpu7x:2x2x1
jax: 0.10.2.dev20260603
libtpu: 0.0.44.dev20260713+nightly
codegen_flags: <defaults>
</compile_context>

<pallas_src>
import functools

import jax
import jax.numpy as jnp
from jax import lax
from jax.experimental import pallas as pl
from jax.experimental.pallas import tpu as pltpu
from jax.experimental.pallas import tpu_sc as plsc

N_BINS_K = 4096
BATCH_K = 16384
L = 16
NW = 32
ROWS_PER_W = BATCH_K // NW
N_TIMES = N_BINS_K + 1


def _pwc_body(times_hbm, t_hbm, values_hbm, out_hbm,
              times_v, t_v, tile_v, col_v, sem_a, sem_b, sem_c, sem_d):
    wid = lax.axis_index("s") * 2 + lax.axis_index("c")
    base = wid * ROWS_PER_W
    base8 = pl.multiple_of(base, 8)

    cp_times = pltpu.async_copy(times_hbm, times_v, sem_a)
    cp_t = pltpu.async_copy(t_hbm, t_v, sem_b)
    half = ROWS_PER_W // 2
    cp_spec0 = pltpu.async_copy(
        values_hbm.at[pl.ds(base8, half), pl.ds(0, 128)],
        tile_v.at[pl.ds(0, half), :], sem_c)
    cp_spec1 = pltpu.async_copy(
        values_hbm.at[pl.ds(pl.multiple_of(base + half, 8), half),
                      pl.ds(0, 128)],
        tile_v.at[pl.ds(half, half), :], sem_d)
    cp_times.wait()
    cp_t.wait()

    lanes = lax.iota(jnp.int32, L)
    zeros = jnp.zeros((L,), jnp.int32)
    tval = plsc.load_gather(t_v, [zeros])

    def probe(idx):
        smp = plsc.load_gather(times_v, [jnp.minimum(idx, N_BINS_K)])
        ok = jnp.logical_and(smp <= tval, idx <= N_BINS_K)
        return jnp.sum(jnp.where(ok, jnp.int32(1), jnp.int32(0)))

    n1 = probe(lanes * 256 + 255)
    b1 = n1 * 256
    n2 = probe(b1 + lanes * 16 + 15)
    b2 = b1 + n2 * 16
    n3 = probe(b2 + lanes)
    count = b2 + n3

    valid = jnp.logical_and(count >= 1, count <= N_BINS_K)
    col = jnp.clip(count - 1, 0, N_BINS_K - 1)

    col_tile = pl.multiple_of((col // 128) * 128, 128)
    cp_spec0.wait()
    cp_spec1.wait()

    @pl.when(col >= 128)
    def _refetch():
        pltpu.async_copy(
            values_hbm.at[pl.ds(base8, ROWS_PER_W), pl.ds(col_tile, 128)],
            tile_v, sem_c).wait()

    vf = jnp.where(valid, jnp.float32(1.0), jnp.float32(0.0))
    colrem = jnp.full((L,), col % 128, jnp.int32)

    def sel_body(c, carry):
        rows = c * L + lanes
        col_v[pl.ds(c * L, L)] = (
            plsc.load_gather(tile_v, [rows, colrem]) * vf)
        return carry

    lax.fori_loop(0, ROWS_PER_W // L, sel_body, jnp.int32(0))
    pltpu.sync_copy(col_v, out_hbm.at[pl.ds(base, ROWS_PER_W)])


@jax.jit
def _pwc_sc(times, t1, values):
    mesh = plsc.VectorSubcoreMesh(core_axis_name="c", subcore_axis_name="s")
    f = functools.partial(
        pl.kernel,
        mesh=mesh,
        out_type=jax.ShapeDtypeStruct((BATCH_K,), jnp.float32),
        scratch_types=[
            pltpu.VMEM((N_TIMES,), jnp.float32),
            pltpu.VMEM((1,), jnp.float32),
            pltpu.VMEM((ROWS_PER_W, 128), jnp.float32),
            pltpu.VMEM((ROWS_PER_W,), jnp.float32),
            pltpu.SemaphoreType.DMA,
            pltpu.SemaphoreType.DMA,
            pltpu.SemaphoreType.DMA,
            pltpu.SemaphoreType.DMA,
        ],
        compiler_params=pltpu.CompilerParams(needs_layout_passes=False),
    )(_pwc_body)
    return f(times, t1, values)


def kernel(times, values, t):
    return _pwc_sc(times, jnp.reshape(t, (1,)), values)

# --- scband reference (transcript-rebuilt; emitter-appended) ---
"""Pipeline reference for scband-pwcfactor-3264175145323 (READ-ONLY COPY).

The authoritative reference and input builder live on the scoring server;
editing this copy changes nothing except your own understanding.
"""

import jax, jax.numpy as jnp
import numpy as np

N_BINS = 4096
BATCH = 16384

def setup_inputs(seed: int = 0) -> dict:
    key = jax.random.key(seed)
    k1, k2 = jax.random.split(key, 2)
    # times: sorted breakpoints (arange fill), length n_bins + 1
    times = jnp.arange(N_BINS + 1, dtype=jnp.float32)
    # values: one value per interval for each of BATCH factors
    values = jax.random.normal(k1, (BATCH, N_BINS), dtype=jnp.float32)
    # scalar evaluation time, in-range: rand in [0, 1) < times[-1]
    t = jax.random.uniform(k2, (), dtype=jnp.float32)
    return {"times": times, "values": values, "t": t}

def reference(times, values, t):
    def _zero(tt):
        return jnp.zeros_like(values[..., 0])

    def _pwc(tt):
        idx = jnp.searchsorted(times, tt, side='right') - 1
        return values[..., idx]

    return jax.lax.cond(
        jnp.logical_or(t < times[0], t >= times[-1]), _zero, _pwc, t
    )

if __name__ == "__main__":
    import jax
    _d = setup_inputs()
    print(jax.jit(kernel)(*tuple(_d.values())))

</pallas_src>

<mosaic_0001>
#map = affine_map<(d0, d1) -> (0)>
#map1 = affine_map<(d0, d1) -> (0, 0)>
module attributes {stable_mosaic.version = 14 : i64} {
  func.func @_pwc_body(%arg0: i32, %arg1: i32, %arg2: memref<4097xf32, #tpu.memory_space<hbm>>, %arg3: memref<1xf32, #tpu.memory_space<hbm>>, %arg4: memref<16384x4096xf32, #tpu.memory_space<hbm>>, %arg5: memref<16384xf32, #tpu.memory_space<hbm>>, %arg6: memref<4097xf32, #tpu.memory_space<vmem>>, %arg7: memref<1xf32, #tpu.memory_space<vmem>>, %arg8: memref<512x128xf32, #tpu.memory_space<vmem>>, %arg9: memref<512xf32, #tpu.memory_space<vmem>>, %arg10: memref<!tpu.dma_semaphore, #tpu.memory_space<semaphore_mem>>, %arg11: memref<!tpu.dma_semaphore, #tpu.memory_space<semaphore_mem>>, %arg12: memref<!tpu.dma_semaphore, #tpu.memory_space<semaphore_mem>>, %arg13: memref<!tpu.dma_semaphore, #tpu.memory_space<semaphore_mem>>) attributes {dimension_semantics = [#tpu.dimension_semantics<core_parallel>, #tpu.dimension_semantics<subcore_parallel>], iteration_bounds = array<i64: 2, 16>, scalar_prefetch = 0 : i64, scratch_operands = 8 : i64, tpu.core_type = #tpu.core_type<sc_vector_subcore>, window_params = [{transform_indices = #map}, {transform_indices = #map}, {transform_indices = #map1}, {transform_indices = #map}]} {
    %mul3A = arith.constant 2 : i32
    %mul3A_0 = arith.muli %arg1, %mul3A : i32
    %add3A = arith.addi %mul3A_0, %arg0 : i32
    %mul3A_1 = arith.constant 512 : i32
    %mul3A_2 = arith.muli %add3A, %mul3A_1 : i32
    %multiple_of3A = tpu.assume_multiple %mul3A_2, 8 : i32
    tpu.enqueue_dma source(%arg2 : memref<4097xf32, #tpu.memory_space<hbm>>) target(%arg6 : memref<4097xf32, #tpu.memory_space<vmem>>) target_semaphore(%arg10 : memref<!tpu.dma_semaphore, #tpu.memory_space<semaphore_mem>>)
    tpu.enqueue_dma source(%arg3 : memref<1xf32, #tpu.memory_space<hbm>>) target(%arg7 : memref<1xf32, #tpu.memory_space<vmem>>) target_semaphore(%arg11 : memref<!tpu.dma_semaphore, #tpu.memory_space<semaphore_mem>>)
    %dma_start3A = arith.constant 0 : i32
    %dma_start3A_3 = arith.constant 0 : i32
    %dma_start3A_4 = tpu.memref_slice %arg8[%dma_start3A, %dma_start3A_3] : memref<512x128xf32, #tpu.memory_space<vmem>> -> memref<256x128xf32, #tpu.memory_space<vmem>>
    %dma_start3A_5 = arith.constant 0 : i32
    %dma_start3A_6 = tpu.memref_slice %arg4[%multiple_of3A, %dma_start3A_5] : memref<16384x4096xf32, #tpu.memory_space<hbm>> -> memref<256x128xf32, #tpu.memory_space<hbm>>
    %dma_start3A_7 = arith.constant 0 : i32
    %dma_start3A_8 = arith.constant 0 : i32
    %dma_start3A_9 = tpu.memref_slice %arg8[%dma_start3A_7, %dma_start3A_8] : memref<512x128xf32, #tpu.memory_space<vmem>> -> memref<256x128xf32, #tpu.memory_space<vmem>>
    %dma_start3A_10 = arith.constant 0 : i32
    %dma_start3A_11 = tpu.memref_slice %arg4[%multiple_of3A, %dma_start3A_10] : memref<16384x4096xf32, #tpu.memory_space<hbm>> -> memref<256x128xf32, #tpu.memory_space<hbm>>
    tpu.enqueue_dma source(%dma_start3A_11 : memref<256x128xf32, #tpu.memory_space<hbm>>) target(%dma_start3A_9 : memref<256x128xf32, #tpu.memory_space<vmem>>) target_semaphore(%arg12 : memref<!tpu.dma_semaphore, #tpu.memory_space<semaphore_mem>>)
    %add3A_12 = arith.constant 256 : i32
    %add3A_13 = arith.addi %mul3A_2, %add3A_12 : i32
    %multiple_of3A_14 = tpu.assume_multiple %add3A_13, 8 : i32
    %dma_start3A_15 = arith.constant 256 : i32
    %dma_start3A_16 = arith.constant 0 : i32
    %dma_start3A_17 = tpu.memref_slice %arg8[%dma_start3A_15, %dma_start3A_16] : memref<512x128xf32, #tpu.memory_space<vmem>> -> memref<256x128xf32, #tpu.memory_space<vmem>>
    %dma_start3A_18 = arith.constant 0 : i32
    %dma_start3A_19 = tpu.memref_slice %arg4[%multiple_of3A_14, %dma_start3A_18] : memref<16384x4096xf32, #tpu.memory_space<hbm>> -> memref<256x128xf32, #tpu.memory_space<hbm>>
    %dma_start3A_20 = arith.constant 256 : i32
    %dma_start3A_21 = arith.constant 0 : i32
    %dma_start3A_22 = tpu.memref_slice %arg8[%dma_start3A_20, %dma_start3A_21] : memref<512x128xf32, #tpu.memory_space<vmem>> -> memref<256x128xf32, #tpu.memory_space<vmem>>
    %dma_start3A_23 = arith.constant 0 : i32
    %dma_start3A_24 = tpu.memref_slice %arg4[%multiple_of3A_14, %dma_start3A_23] : memref<16384x4096xf32, #tpu.memory_space<hbm>> -> memref<256x128xf32, #tpu.memory_space<hbm>>
    tpu.enqueue_dma source(%dma_start3A_24 : memref<256x128xf32, #tpu.memory_space<hbm>>) target(%dma_start3A_22 : memref<256x128xf32, #tpu.memory_space<vmem>>) target_semaphore(%arg13 : memref<!tpu.dma_semaphore, #tpu.memory_space<semaphore_mem>>)
    tpu.wait_dma2 semaphore(%arg10 : memref<!tpu.dma_semaphore, #tpu.memory_space<semaphore_mem>>) src(%arg2 : memref<4097xf32, #tpu.memory_space<hbm>>) dst(%arg6 : memref<4097xf32, #tpu.memory_space<vmem>>)
    tpu.wait_dma2 semaphore(%arg11 : memref<!tpu.dma_semaphore, #tpu.memory_space<semaphore_mem>>) src(%arg3 : memref<1xf32, #tpu.memory_space<hbm>>) dst(%arg7 : memref<1xf32, #tpu.memory_space<vmem>>)
    %iota3A = tpu.iota {dimensions = array<i32: 0>} : vector<16xi32>
    %broadcast_in_dim3A = arith.constant 0 : i32
    %broadcast_in_dim3A_25 = vector.broadcast %broadcast_in_dim3A : i32 to vector<16xi32>
    %gather3A = tpu.vector_load_idx %arg7[%broadcast_in_dim3A_25] : memref<1xf32, #tpu.memory_space<vmem>>[vector<16xi32>], vector<16xf32>,
    %mul3A_26 = arith.constant 256 : i32
    %mul3A_27 = vector.broadcast %mul3A_26 : i32 to vector<16xi32>
    %mul3A_28 = arith.muli %iota3A, %mul3A_27 : vector<16xi32>
    %add3A_29 = arith.constant 255 : i32
    %add3A_30 = vector.broadcast %add3A_29 : i32 to vector<16xi32>
    %add3A_31 = arith.addi %mul3A_28, %add3A_30 : vector<16xi32>
    %min3A = arith.constant 4096 : i32
    %min3A_32 = vector.broadcast %min3A : i32 to vector<16xi32>
    %min3A_33 = arith.minsi %add3A_31, %min3A_32 : vector<16xi32>
    %gather3A_34 = tpu.vector_load_idx %arg6[%min3A_33] : memref<4097xf32, #tpu.memory_space<vmem>>[vector<16xi32>], vector<16xf32>,
    %le3A = arith.cmpf ole, %gather3A_34, %gather3A : vector<16xf32>
    %le3A_35 = arith.constant 4096 : i32
    %le3A_36 = vector.broadcast %le3A_35 : i32 to vector<16xi32>
    %le3A_37 = arith.cmpi sle, %add3A_31, %le3A_36 : vector<16xi32>
    %and3A = arith.andi %le3A, %le3A_37 : vector<16xi1>
    %jit3A = arith.constant 1 : i32
    %jit3A_38 = arith.constant 0 : i32
    %broadcast_in_dim3A_39 = vector.broadcast %jit3A : i32 to vector<16xi32>
    %broadcast_in_dim3A_40 = vector.broadcast %jit3A_38 : i32 to vector<16xi32>
    %select_n3A = arith.select %and3A, %broadcast_in_dim3A_39, %broadcast_in_dim3A_40 : vector<16xi1>, vector<16xi32>
    %reduce_sum3A = arith.constant true
    %reduce_sum3A_41 = vector.broadcast %reduce_sum3A : i1 to vector<16xi1>
    %reduce_sum3A_42 = tpu.scan <sum>, %select_n3A masked %reduce_sum3A_41 : vector<16xi32>, vector<16xi1> -> vector<16xi32>
    %reduce_sum3A_43 = vector.extract %reduce_sum3A_42[15] : i32 from vector<16xi32>
    %mul3A_44 = arith.constant 256 : i32
    %mul3A_45 = arith.muli %reduce_sum3A_43, %mul3A_44 : i32
    %mul3A_46 = arith.constant 16 : i32
    %mul3A_47 = vector.broadcast %mul3A_46 : i32 to vector<16xi32>
    %mul3A_48 = arith.muli %iota3A, %mul3A_47 : vector<16xi32>
    %add3A_49 = vector.broadcast %mul3A_45 : i32 to vector<16xi32>
    %add3A_50 = arith.addi %add3A_49, %mul3A_48 : vector<16xi32>
    %add3A_51 = arith.constant 15 : i32
    %add3A_52 = vector.broadcast %add3A_51 : i32 to vector<16xi32>
    %add3A_53 = arith.addi %add3A_50, %add3A_52 : vector<16xi32>
    %min3A_54 = arith.constant 4096 : i32
    %min3A_55 = vector.broadcast %min3A_54 : i32 to vector<16xi32>
    %min3A_56 = arith.minsi %add3A_53, %min3A_55 : vector<16xi32>
    %gather3A_57 = tpu.vector_load_idx %arg6[%min3A_56] : memref<4097xf32, #tpu.memory_space<vmem>>[vector<16xi32>], vector<16xf32>,
    %le3A_58 = arith.cmpf ole, %gather3A_57, %gather3A : vector<16xf32>
    %le3A_59 = arith.constant 4096 : i32
    %le3A_60 = vector.broadcast %le3A_59 : i32 to vector<16xi32>
    %le3A_61 = arith.cmpi sle, %add3A_53, %le3A_60 : vector<16xi32>
    %and3A_62 = arith.andi %le3A_58, %le3A_61 : vector<16xi1>
    %jit3A_63 = arith.constant 1 : i32
    %jit3A_64 = arith.constant 0 : i32
    %broadcast_in_dim3A_65 = vector.broadcast %jit3A_63 : i32 to vector<16xi32>
    %broadcast_in_dim3A_66 = vector.broadcast %jit3A_64 : i32 to vector<16xi32>
    %select_n3A_67 = arith.select %and3A_62, %broadcast_in_dim3A_65, %broadcast_in_dim3A_66 : vector<16xi1>, vector<16xi32>
    %reduce_sum3A_68 = arith.constant true
    %reduce_sum3A_69 = vector.broadcast %reduce_sum3A_68 : i1 to vector<16xi1>
    %reduce_sum3A_70 = tpu.scan <sum>, %select_n3A_67 masked %reduce_sum3A_69 : vector<16xi32>, vector<16xi1> -> vector<16xi32>
    %reduce_sum3A_71 = vector.extract %reduce_sum3A_70[15] : i32 from vector<16xi32>
    %mul3A_72 = arith.constant 16 : i32
    %mul3A_73 = arith.muli %reduce_sum3A_71, %mul3A_72 : i32
    %add3A_74 = arith.addi %mul3A_45, %mul3A_73 : i32
    %add3A_75 = vector.broadcast %add3A_74 : i32 to vector<16xi32>
    %add3A_76 = arith.addi %add3A_75, %iota3A : vector<16xi32>
    %min3A_77 = arith.constant 4096 : i32
    %min3A_78 = vector.broadcast %min3A_77 : i32 to vector<16xi32>
    %min3A_79 = arith.minsi %add3A_76, %min3A_78 : vector<16xi32>
    %gather3A_80 = tpu.vector_load_idx %arg6[%min3A_79] : memref<4097xf32, #tpu.memory_space<vmem>>[vector<16xi32>], vector<16xf32>,
    %le3A_81 = arith.cmpf ole, %gather3A_80, %gather3A : vector<16xf32>
    %le3A_82 = arith.constant 4096 : i32
    %le3A_83 = vector.broadcast %le3A_82 : i32 to vector<16xi32>
    %le3A_84 = arith.cmpi sle, %add3A_76, %le3A_83 : vector<16xi32>
    %and3A_85 = arith.andi %le3A_81, %le3A_84 : vector<16xi1>
    %jit3A_86 = arith.constant 1 : i32
    %jit3A_87 = arith.constant 0 : i32
    %broadcast_in_dim3A_88 = vector.broadcast %jit3A_86 : i32 to vector<16xi32>
    %broadcast_in_dim3A_89 = vector.broadcast %jit3A_87 : i32 to vector<16xi32>
    %select_n3A_90 = arith.select %and3A_85, %broadcast_in_dim3A_88, %broadcast_in_dim3A_89 : vector<16xi1>, vector<16xi32>
    %reduce_sum3A_91 = arith.constant true
    %reduce_sum3A_92 = vector.broadcast %reduce_sum3A_91 : i1 to vector<16xi1>
    %reduce_sum3A_93 = tpu.scan <sum>, %select_n3A_90 masked %reduce_sum3A_92 : vector<16xi32>, vector<16xi1> -> vector<16xi32>
    %reduce_sum3A_94 = vector.extract %reduce_sum3A_93[15] : i32 from vector<16xi32>
    %add3A_95 = arith.addi %add3A_74, %reduce_sum3A_94 : i32
    %ge3A = arith.constant 1 : i32
    %ge3A_96 = arith.cmpi sge, %add3A_95, %ge3A : i32
    %le3A_97 = arith.constant 4096 : i32
    %le3A_98 = arith.cmpi sle, %add3A_95, %le3A_97 : i32
    %and3A_99 = arith.andi %ge3A_96, %le3A_98 : i1
    %sub3A = arith.constant 1 : i32
    %sub3A_100 = arith.subi %add3A_95, %sub3A : i32
    %jit3A_101 = arith.constant 0 : i32
    %jit3A_102 = arith.constant 4095 : i32
    %max3A = arith.maxsi %jit3A_101, %sub3A_100 : i32
    %min3A_103 = arith.minsi %jit3A_102, %max3A : i32
    %jit3A_104 = arith.constant 128 : i32
    %div3A = arith.divsi %min3A_103, %jit3A_104 : i32
    %sign3A = arith.constant 0 : i32
    %sign3A_105 = arith.cmpi sgt, %min3A_103, %sign3A : i32
    %sign3A_106 = arith.extui %sign3A_105 : i1 to i32
    %sign3A_107 = arith.constant 0 : i32
    %sign3A_108 = arith.cmpi slt, %min3A_103, %sign3A_107 : i32
    %sign3A_109 = arith.extui %sign3A_108 : i1 to i32
    %sign3A_110 = arith.subi %sign3A_106, %sign3A_109 : i32
    %sign3A_111 = arith.constant 0 : i32
    %sign3A_112 = arith.cmpi sgt, %jit3A_104, %sign3A_111 : i32
    %sign3A_113 = arith.extui %sign3A_112 : i1 to i32
    %sign3A_114 = arith.constant 0 : i32
    %sign3A_115 = arith.cmpi slt, %jit3A_104, %sign3A_114 : i32
    %sign3A_116 = arith.extui %sign3A_115 : i1 to i32
    %sign3A_117 = arith.subi %sign3A_113, %sign3A_116 : i32
    %ne3A = arith.cmpi ne, %sign3A_110, %sign3A_117 : i32
    %rem3A = arith.remsi %min3A_103, %jit3A_104 : i32
    %ne3A_118 = arith.constant 0 : i32
    %ne3A_119 = arith.cmpi ne, %rem3A, %ne3A_118 : i32
    %and3A_120 = arith.andi %ne3A, %ne3A_119 : i1
    %sub3A_121 = arith.constant 1 : i32
    %sub3A_122 = arith.subi %div3A, %sub3A_121 : i32
    %select_n3A_123 = arith.select %and3A_120, %sub3A_122, %div3A : i32
    %mul3A_124 = arith.constant 128 : i32
    %mul3A_125 = arith.muli %select_n3A_123, %mul3A_124 : i32
    %multiple_of3A_126 = tpu.assume_multiple %mul3A_125, 128 : i32
    %dma_wait3A = arith.constant 0 : i32
    %dma_wait3A_127 = arith.constant 0 : i32
    %dma_wait3A_128 = tpu.memref_slice %arg8[%dma_wait3A, %dma_wait3A_127] : memref<512x128xf32, #tpu.memory_space<vmem>> -> memref<256x128xf32, #tpu.memory_space<vmem>>
    %dma_wait3A_129 = arith.constant 0 : i32
    %dma_wait3A_130 = tpu.memref_slice %arg4[%multiple_of3A, %dma_wait3A_129] : memref<16384x4096xf32, #tpu.memory_space<hbm>> -> memref<256x128xf32, #tpu.memory_space<hbm>>
    %dma_wait3A_131 = arith.constant 0 : i32
    %dma_wait3A_132 = arith.constant 0 : i32
    %dma_wait3A_133 = tpu.memref_slice %arg8[%dma_wait3A_131, %dma_wait3A_132] : memref<512x128xf32, #tpu.memory_space<vmem>> -> memref<256x128xf32, #tpu.memory_space<vmem>>
    %dma_wait3A_134 = arith.constant 0 : i32
    %dma_wait3A_135 = tpu.memref_slice %arg4[%multiple_of3A, %dma_wait3A_134] : memref<16384x4096xf32, #tpu.memory_space<hbm>> -> memref<256x128xf32, #tpu.memory_space<hbm>>
    tpu.wait_dma2 semaphore(%arg12 : memref<!tpu.dma_semaphore, #tpu.memory_space<semaphore_mem>>) src(%dma_wait3A_135 : memref<256x128xf32, #tpu.memory_space<hbm>>) dst(%dma_wait3A_133 : memref<256x128xf32, #tpu.memory_space<vmem>>)
    %dma_wait3A_136 = arith.constant 256 : i32
    %dma_wait3A_137 = arith.constant 0 : i32
    %dma_wait3A_138 = tpu.memref_slice %arg8[%dma_wait3A_136, %dma_wait3A_137] : memref<512x128xf32, #tpu.memory_space<vmem>> -> memref<256x128xf32, #tpu.memory_space<vmem>>
    %dma_wait3A_139 = arith.constant 0 : i32
    %dma_wait3A_140 = tpu.memref_slice %arg4[%multiple_of3A_14, %dma_wait3A_139] : memref<16384x4096xf32, #tpu.memory_space<hbm>> -> memref<256x128xf32, #tpu.memory_space<hbm>>
    %dma_wait3A_141 = arith.constant 256 : i32
    %dma_wait3A_142 = arith.constant 0 : i32
    %dma_wait3A_143 = tpu.memref_slice %arg8[%dma_wait3A_141, %dma_wait3A_142] : memref<512x128xf32, #tpu.memory_space<vmem>> -> memref<256x128xf32, #tpu.memory_space<vmem>>
    %dma_wait3A_144 = arith.constant 0 : i32
    %dma_wait3A_145 = tpu.memref_slice %arg4[%multiple_of3A_14, %dma_wait3A_144] : memref<16384x4096xf32, #tpu.memory_space<hbm>> -> memref<256x128xf32, #tpu.memory_space<hbm>>
    tpu.wait_dma2 semaphore(%arg13 : memref<!tpu.dma_semaphore, #tpu.memory_space<semaphore_mem>>) src(%dma_wait3A_145 : memref<256x128xf32, #tpu.memory_space<hbm>>) dst(%dma_wait3A_143 : memref<256x128xf32, #tpu.memory_space<vmem>>)
    %ge3A_146 = arith.constant 128 : i32
    %ge3A_147 = arith.cmpi sge, %min3A_103, %ge3A_146 : i32
    %convert_element_type3A = arith.extui %ge3A_147 : i1 to i32
    %cond3A = arith.constant 0 : i32
    %cond3A_148 = arith.cmpi ne, %convert_element_type3A, %cond3A : i32
    scf.if %cond3A_148 {
      %dma_start3A_172 = tpu.memref_slice %arg4[%multiple_of3A, %multiple_of3A_126] : memref<16384x4096xf32, #tpu.memory_space<hbm>> -> memref<512x128xf32, #tpu.memory_space<hbm>>
      %dma_start3A_173 = tpu.memref_slice %arg4[%multiple_of3A, %multiple_of3A_126] : memref<16384x4096xf32, #tpu.memory_space<hbm>> -> memref<512x128xf32, #tpu.memory_space<hbm>>
      tpu.enqueue_dma source(%dma_start3A_173 : memref<512x128xf32, #tpu.memory_space<hbm>>) target(%arg8 : memref<512x128xf32, #tpu.memory_space<vmem>>) target_semaphore(%arg12 : memref<!tpu.dma_semaphore, #tpu.memory_space<semaphore_mem>>)
      %dma_wait3A_174 = tpu.memref_slice %arg4[%multiple_of3A, %multiple_of3A_126] : memref<16384x4096xf32, #tpu.memory_space<hbm>> -> memref<512x128xf32, #tpu.memory_space<hbm>>
      %dma_wait3A_175 = tpu.memref_slice %arg4[%multiple_of3A, %multiple_of3A_126] : memref<16384x4096xf32, #tpu.memory_space<hbm>> -> memref<512x128xf32, #tpu.memory_space<hbm>>
      tpu.wait_dma2 semaphore(%arg12 : memref<!tpu.dma_semaphore, #tpu.memory_space<semaphore_mem>>) src(%dma_wait3A_175 : memref<512x128xf32, #tpu.memory_space<hbm>>) dst(%arg8 : memref<512x128xf32, #tpu.memory_space<vmem>>)
    } else {
    }
    %jit3A_149 = arith.constant 1.000000e+00 : f32
    %jit3A_150 = arith.constant 0.000000e+00 : f32
    %select_n3A_151 = arith.select %and3A_99, %jit3A_149, %jit3A_150 : f32
    %jit3A_152 = arith.constant 128 : i32
    %eq3A = arith.constant 0 : i32
    %eq3A_153 = arith.cmpi eq, %jit3A_152, %eq3A : i32
    %jit3A_154 = arith.constant 1 : i32
    %select_n3A_155 = arith.select %eq3A_153, %jit3A_154, %jit3A_152 : i32
    %rem3A_156 = arith.remsi %min3A_103, %select_n3A_155 : i32
    %ne3A_157 = arith.constant 0 : i32
    %ne3A_158 = arith.cmpi ne, %rem3A_156, %ne3A_157 : i32
    %lt3A = arith.constant 0 : i32
    %lt3A_159 = arith.cmpi slt, %rem3A_156, %lt3A : i32
    %lt3A_160 = arith.constant 0 : i32
    %lt3A_161 = arith.cmpi slt, %select_n3A_155, %lt3A_160 : i32
    %ne3A_162 = arith.xori %lt3A_159, %lt3A_161 : i1
    %and3A_163 = arith.andi %ne3A_162, %ne3A_158 : i1
    %add3A_164 = arith.addi %rem3A_156, %select_n3A_155 : i32
    %select_n3A_165 = arith.select %and3A_163, %add3A_164, %rem3A_156 : i32
    %broadcast_in_dim3A_166 = vector.broadcast %select_n3A_165 : i32 to vector<16xi32>
    %scan3A = arith.constant 0 : i32
    %scan3A_167 = arith.constant 0 : i32
    %scan3A_168 = arith.constant 32 : i32
    %scan3A_169 = arith.addi %scan3A_167, %scan3A_168 : i32
    %scan3A_170 = arith.constant 1 : i32
    scf.for %scan3A_172 = %scan3A_167 to %scan3A_169 step %scan3A_170  : i32 {
      %mul3A_173 = arith.constant 16 : i32
      %mul3A_174 = arith.muli %scan3A_172, %mul3A_173 : i32
      %add3A_175 = vector.broadcast %mul3A_174 : i32 to vector<16xi32>
      %add3A_176 = arith.addi %add3A_175, %iota3A : vector<16xi32>
      %gather3A_177 = tpu.vector_load_idx %arg8[%add3A_176, %broadcast_in_dim3A_166] : memref<512x128xf32, #tpu.memory_space<vmem>>[vector<16xi32>, vector<16xi32>], vector<16xf32>,
      %mul3A_178 = vector.broadcast %select_n3A_151 : f32 to vector<16xf32>
      %mul3A_179 = arith.mulf %gather3A_177, %mul3A_178 : vector<16xf32>
      %mul3A_180 = arith.constant 16 : i32
      %mul3A_181 = arith.muli %scan3A_172, %mul3A_180 : i32
      %swap3A = arith.index_cast %mul3A_181 : i32 to index
      %swap3A_182 = tpu.vector_load %arg9[%swap3A] {strides = array<i32>} : memref<512xf32, #tpu.memory_space<vmem>>, vector<16xf32>,
      tpu.vector_store %arg9[%swap3A], %mul3A_179 {strides = array<i32>} : memref<512xf32, #tpu.memory_space<vmem>>, vector<16xf32>,
    }
    %scan3A_171 = arith.constant 32 : i32
    "tpu.region"() ({
      %run_scoped3A = tpu.sem_alloc : memref<!tpu.dma_semaphore, #tpu.memory_space<semaphore_mem>>
      %dma_start3A_172 = tpu.memref_slice %arg5[%mul3A_2] : memref<16384xf32, #tpu.memory_space<hbm>> -> memref<512xf32, #tpu.memory_space<hbm>>
      %dma_start3A_173 = tpu.memref_slice %arg5[%mul3A_2] : memref<16384xf32, #tpu.memory_space<hbm>> -> memref<512xf32, #tpu.memory_space<hbm>>
      tpu.enqueue_dma source(%arg9 : memref<512xf32, #tpu.memory_space<vmem>>) target(%dma_start3A_173 : memref<512xf32, #tpu.memory_space<hbm>>) target_semaphore(%run_scoped3A : memref<!tpu.dma_semaphore, #tpu.memory_space<semaphore_mem>>)
      %dma_wait3A_174 = tpu.memref_slice %arg5[%mul3A_2] : memref<16384xf32, #tpu.memory_space<hbm>> -> memref<512xf32, #tpu.memory_space<hbm>>
      %dma_wait3A_175 = tpu.memref_slice %arg5[%mul3A_2] : memref<16384xf32, #tpu.memory_space<hbm>> -> memref<512xf32, #tpu.memory_space<hbm>>
      tpu.wait_dma2 semaphore(%run_scoped3A : memref<!tpu.dma_semaphore, #tpu.memory_space<semaphore_mem>>) src(%arg9 : memref<512xf32, #tpu.memory_space<vmem>>) dst(%dma_wait3A_175 : memref<512xf32, #tpu.memory_space<hbm>>)
      tpu.yield
    }) : () -> ()
    return
  }
}

</mosaic_0001>

<sc_bundles>
// kernel: _pwc_sc.3.cloned.1.call-start
scs
__scs_entry_jumppad:
0x0: {  	(pc) =	sbr.rel $0x88, $3  }
0x1: {  	(tag) =	ssettag $0x0;
	lr =	simm.s32 $0x1  }
0x2: {  	[smem:$0x3F9E] =	sst lr;
	_ =	strace $0xD0000000  }
0x3: {  	_ = 	snop  }
0x4: {  	_ = 	snop  }
0x5: {  	_ = 	snop  }
0x6: {  	_ = 	snop  }
0x7: {  	_ = 	snop  }
__scs_overlays_trampoline_lowered:
0x8: {  	[smem:$0x3FAD] =	sst s0  }
0x9: {  	[smem:$0x3FAE] =	sst s1  }
0xa: {  	[smem:$0x3FAF] =	sst s2  }
0xb: {  	[smem:$0x3FB0] =	sst s3  }
0xc: {  	[smem:$0x3FB1] =	sst s4  }
0xd: {  	[smem:$0x3FB2] =	sst s5  }
0xe: {  	[smem:$0x3FB3] =	sst s6  }
0xf: {  	[smem:$0x3FB4] =	sst s7  }
0x10: {  	[smem:$0x3FB5] =	sst s8  }
0x11: {  	[smem:$0x3FB6] =	sst s9;
	s0 =	simm.s32 @!p0 $0x0  }
0x12: {  	s1 =	sld [smem:$0x3F9C];
	s0 =	simm.s32 @p0 $0x1  }
0x13: {  	[smem:$0x3FB7] =	sst s0;
	s0 =	simm.s32 @!p1 $0x0  }
0x14: {  	s2 =	sld [smem:$0x3F9B];
	s0 =	simm.s32 @p1 $0x1  }
0x15: {  	[smem:$0x3FB8] =	sst s0;
	s0 =	simm.s32 @!p2 $0x0  }
0x16: {  	s3 =	sld [smem:$0x3FDB];
	s0 =	simm.s32 @p2 $0x1  }
0x17: {  	s4 =	simm.s32 $0x1BF5;
	[smem:$0x3FBA] =	sst s0  }
0x18: {  	s0 =	sld [smem:$0x3F9D];
	_ =	swait.ge [sflag:s4], $0x0  }
0x19: {  	s7 =	sld [smem:$0x3F9E]  }
0x1a: {  	s8 =	sadd.s32 $0xFFFFE003, lr  }
0x1b: {  	s9 =	sadd.s32 $0xFFFFFEF7, lr;
	s5 =	simm.s32 $0xFFFFFFFF;
	p2 =	slt.u32 s8, $0xFFFFF086  }
0x1c: {  	p1 =	slt.u32 s9, $0xF7A;
	s5 =	simm.s32 @!p2 $0x0  }
0x1d: {  	s5 =	simm.s32 @p1 $0x1;
	p0 =	seq.s32 s7, s2  }
0x1e: {  	s7 =	smul.u32 @!p0 $0xF7A, s2;
	p2 =	seq.s32 @!p0 s5, $0x0  }
0x1f: {  	s9 =	smul.u32 $0xF7A, s1;
	s8 =	simm.s32 @!p0 $0x1BF5;
	p2 =	por !p2, p0  }
0x20: {  	[sflag:s8] =	ssyncset.s32 @!p0 $0xFFFFF086;
	s6 =	sadd.s32 @!p0 s3, s7;
	s7 =	simm.s32 @!p0 $0x108  }
0x21: {  	s3 =	sadd.s32 s3, s9;
	s6 =	sadd.s32 @!p0 $0x88, s6;
	s7 =	simm.s32 @p2 $0x1082  }
0x22: {  	[simem:s7], [sflag:s8] =	dma.local @!p0 [hbm:s6], $0xF7A  }
0x23: {  	s9 =	sor.u32 $0xD0000000, s2;
	s6 =	simm.s32 $0x108;
	_ =	swait.ge @!p0 [sflag:s8], $0x0  }
0x24: {  	s3 =	sadd.s32 $0x88, s3;
	s6 =	simm.s32 @!p1 $0x1082;
	[sflag:s4] =	ssyncset.s32 $0xFFFFF086  }
0x25: {  	[simem:s6], [sflag:s4] =	dma.local [hbm:s3], $0xF7A  }
0x26: {  	[smem:$0x3F9E] =	sst s1;
	(tag) =	ssettag s2;
	_ =	strace s9  }
0x27: {  	s1 =	sld [smem:$0x3FAE]  }
0x28: {  	s2 =	sld [smem:$0x3FAF]  }
0x29: {  	s4 =	sld [smem:$0x3FB1]  }
0x2a: {  	p0 =	seq.s32 s5, $0x0;
	s5 =	sld [smem:$0x3FB2]  }
0x2b: {  	s6 =	sld [smem:$0x3FB3]  }
0x2c: {  	s7 =	sld [smem:$0x3FB4]  }
0x2d: {  	s3 =	simm.s32 $0x108;
	s8 =	sld [smem:$0x3FB5]  }
0x2e: {  	s3 =	simm.s32 @!p0 $0x1082;
	s9 =	sld [smem:$0x3FB6]  }
0x2f: {  	lr =	sadd.s32 s0, s3;
	s0 =	sld [smem:$0x3FAD]  }
0x30: {  	s3 =	sld [smem:$0x3FB0]  }
0x31: {  	[smem:$0x3FB9] =	sst s10  }
0x32: {  	s10 =	sld [smem:$0x3FB7];
	_ =	sdelay $0x3  }
0x33: {  	p0 =	seq.s32 s10, $0x1;
	s10 =	sld [smem:$0x3FB9];
	_ =	sdelay $0x3  }
0x34: {  	[smem:$0x3FB9] =	sst s10  }
0x35: {  	s10 =	sld [smem:$0x3FB8];
	_ =	sdelay $0x3  }
0x36: {  	p1 =	seq.s32 s10, $0x1;
	s10 =	sld [smem:$0x3FB9];
	_ =	sdelay $0x3  }
0x37: {  	[smem:$0x3FB9] =	sst s10  }
0x38: {  	s10 =	sld [smem:$0x3FBA]  }
0x39: {  	_ = 	snop;
	(pc) =	sbr.ind lr, $3  }
0x3a: {  	_ = 	snop  }
0x3b: {  	_ = 	snop  }
0x3c: {  	p2 =	seq.s32 s10, $0x1;
	s10 =	sld [smem:$0x3FB9]  }
0x3d: {  	_ =	shalt  }
0x3e: {  	_ =	shalt  }
0x3f: {  	_ =	shalt  }
0x40: {  	_ =	shalt  }
0x41: {  	_ =	shalt  }
0x42: {  	_ =	shalt  }
0x43: {  	_ =	shalt  }
0x44: {  	_ =	shalt  }
0x45: {  	_ =	shalt  }
0x46: {  	_ =	shalt  }
0x47: {  	_ =	shalt  }
0x48: {  	_ =	shalt  }
0x49: {  	_ =	shalt  }
0x4a: {  	_ =	shalt  }
0x4b: {  	_ =	shalt  }
0x4c: {  	_ =	shalt  }
0x4d: {  	_ =	shalt  }
0x4e: {  	_ =	shalt  }
0x4f: {  	_ =	shalt  }
0x50: {  	_ =	shalt  }
0x51: {  	_ =	shalt  }
0x52: {  	_ =	shalt  }
0x53: {  	_ =	shalt  }
0x54: {  	_ =	shalt  }
0x55: {  	_ =	shalt  }
0x56: {  	_ =	shalt  }
0x57: {  	_ =	shalt  }
0x58: {  	_ =	shalt  }
0x59: {  	_ =	shalt  }
0x5a: {  	_ =	shalt  }
0x5b: {  	_ =	shalt  }
0x5c: {  	_ =	shalt  }
0x5d: {  	_ =	shalt  }
0x5e: {  	_ =	shalt  }
0x5f: {  	_ =	shalt  }
0x60: {  	_ =	shalt  }
0x61: {  	_ =	shalt  }
0x62: {  	_ =	shalt  }
0x63: {  	_ =	shalt  }
0x64: {  	_ =	shalt  }
0x65: {  	_ =	shalt  }
0x66: {  	_ =	shalt  }
0x67: {  	_ =	shalt  }
0x68: {  	_ =	shalt  }
0x69: {  	_ =	shalt  }
0x6a: {  	_ =	shalt  }
0x6b: {  	_ =	shalt  }
0x6c: {  	_ =	shalt  }
0x6d: {  	_ =	shalt  }
0x6e: {  	_ =	shalt  }
0x6f: {  	_ =	shalt  }
0x70: {  	_ =	shalt  }
0x71: {  	_ =	shalt  }
0x72: {  	_ =	shalt  }
0x73: {  	_ =	shalt  }
0x74: {  	_ =	shalt  }
0x75: {  	_ =	shalt  }
0x76: {  	_ =	shalt  }
0x77: {  	_ =	shalt  }
0x78: {  	_ =	shalt  }
0x79: {  	_ =	shalt  }
0x7a: {  	_ =	shalt  }
0x7b: {  	_ =	shalt  }
0x7c: {  	_ =	shalt  }
0x7d: {  	_ =	shalt  }
0x7e: {  	_ =	shalt  }
0x7f: {  	_ =	shalt  }
0x80: {  	_ =	shalt  }
0x81: {  	_ =	shalt  }
0x82: {  	_ =	shalt  }
0x83: {  	_ =	shalt  }
0x84: {  	_ =	shalt  }
0x85: {  	_ =	shalt  }
0x86: {  	_ =	shalt  }
0x87: {  	_ =	shalt  }
.Lfunc_end0:
.L_simem_size_0:
called_computation_lowered:
.L_overlay_start_0:
0x88: {  	s2 =	sld [smem:$0x3FD9]  }
0x89: {  	s3 =	sld [smem:$0x3FFE];
	_ =	sdelay $0x1  }
0x8a: {  	s1 =	srdreg.scid  }
0x8b: {  	s0 =	sand.u32 $0x1, s1  }
0x8c: {  	s18 =	sshll.u32 s0, $0xA;
	s2 =	sadd.s32 s3, s2  }
0x8d: {  	s2 =	sadd.s32 s2, s18  }
0x8e: {  	[smem:$0x3FC5] =	sst s2  }
0x8f: {  	_ = 	snop  }
0x90: {  	s2 =	sld [smem:$0x3FC9]  }
0x91: {  	s19 =	sld [smem:$0x3FC8]  }
0x92: {  	s4 =	sld [smem:$0x3FC7]  }
0x93: {  	s5 =	sld [smem:$0x3FD0];
	(tm) =	ssettm $0x1  }
0x94: {  	s6 =	sld [smem:$0x3FFB];
	_ =	sdelay $0x3  }
0x95: {  	_ =	strace s6  }
0x96: {  	s6 =	sld [smem:$0x3FFC];
	_ =	sdelay $0x3  }
0x97: {  	_ =	strace s6  }
0x98: {  	s6 =	sld [smem:$0x3FFD];
	_ =	sdelay $0x3  }
0x99: {  	_ =	strace s6  }
0x9a: {  	_ =	strace $0x8FFFFFFF  }
0x9b: {  	s20 =	sld [smem:$0x3FDB];
	_ =	sdelay $0x1  }
0x9c: {  	s7 =	simm.s32 $_scs_section_size  }
0x9d: {  	s8 =	simm.s32 $_size__tile_overlayer_lowered;
	s9 =	simm.s32 $_tile_overlayer_lowered  }
0x9e: {  	s23 =	simm.s32 $0x1BFF;
	s22 =	sshll.u32 s9, $0x1;
	s6 =	sadd.s32 s7, s20  }
0x9f: {  	s10 =	simm.s32 $0x0;
	s21 =	sshll.u32 s8, $0x1;
	s8 =	sadd.s32 s22, s6  }
0xa0: {  	[timem:s10], [sflag:s23] =	dma.local [hbm:s8], s21  }
0xa1: {  	_ =	swait.ge [sflag:s23], s21  }
0xa2: {  	s7 =	ssub.s32 $0x0, s21;
	[sflag:s23] =	ssyncset.done $0x0  }
0xa3: {  	[sflag:s23] =	ssyncadd.s32 s7;
	_ =	sdelay $0x1  }
0xa4: {  	s24 =	simm.s32 $0x1B8B  }
0xa5: {  	_ =	swait.ge [sflag:s24], $0x1  }
0xa6: {  	[sflag:s24] =	ssyncset.done $0x0  }
0xa7: {  	s25 =	simm.s32 $0x1B8E;
	[sflag:s24] =	ssyncadd.s32 $0xFFFFFFFF  }
0xa8: {  	s26 =	simm.s32 $execute0_lowered;
	[smem:$0x3FD2] =	sst s25  }
0xa9: {  	s7 =	sshll.u32 s26, $0x1;
	_ =	strace $0x80000046;
	[dreg:$0x1] =	wrdreg $0xFFFFFFFF  }
0xaa: {  	s28 =	simm.s32 $_size_execute0_lowered;
	s6 =	sadd.s32 s6, s7;
	[dreg:$0x0] =	wrdreg $0x0  }
0xab: {  	s7 =	sshll.u32 s28, $0x1;
	[dreg:$0x2] =	wrdreg s6  }
0xac: {  	[dreg:$0x3] =	wrdreg s7  }
0xad: {  	[dreg:$0x4] =	wrdreg $0xC0  }
0xae: {  	_ =	task [dreg:s10], $0x5FFFF  }
0xaf: {  	[dreg:$0x1] =	wrdreg $0xFFFFFFFF  }
0xb0: {  	[dreg:$0x0] =	wrdreg $0x60  }
0xb1: {  	[dreg:$0x2] =	wrdreg s2  }
0xb2: {  	[dreg:$0x3] =	wrdreg s19  }
0xb3: {  	[dreg:$0x4] =	wrdreg s4  }
0xb4: {  	[dreg:$0x5] =	wrdreg s5  }
0xb5: {  	[dreg:$0x6] =	wrdreg $0x9  }
0xb6: {  	_ =	task.clear_ibuf [dreg:s10], $0x7FFFF;
	_ =	strace $0x90000046  }
0xb7: {  	s29 =	simm.s32 $0x9;
	_ =	strace $0x80000048  }
0xb8: {  	_ =	swait.ge [sflag:s29], $0x1  }
0xb9: {  	[sflag:s29] =	ssyncadd.s32 $0xFFFFFFFF  }
0xba: {  	_ =	strace $0x90000048  }
0xbb: {  	_ =	sfence  }
0xbc: {  	s30 =	sld [smem:$0x0];
	_ =	sdelay $0x2  }
0xbd: {  	s31 =	sshll.u32 s1, $0xD;
	s1 =	sshrl.u32 s1, $0x2  }
0xbe: {  	s3 =	sand.u32 $0x4000, s31;
	s1 =	sadd.s32 s1, s30  }
0xbf: {  	s0 =	sor.u32 s3, s0;
	s1 =	sshll.u32 s1, $0x11  }
0xc0: {  	s0 =	sor.u32 s1, s0  }
0xc1: {  	s0 =	sadd.s32 $0x8F2B, s0  }
0xc2: {  	[sflag:s0] =	ssyncadd.remote.s32 $0x1  }
0xc3: {  	_ =	sfence.sel $0xFFFF  }
0xc4: {  	[dreg:$0x0] =	wrdreg $0xFFFFFFFF;
	(pc) =	sbr.abs _section_cstart, $3  }
0xc5: {  	[dreg:$0x1] =	wrdreg $0xFFFFFFFF  }
0xc6: {  	_ =	task.clear_ibuf [dreg:s10], $0x2FFFF;
	_ =	strace $0x9FFFFFFF  }
0xc7: {  	(tm) =	ssettm $0x7FFFFFFF  }
tec
execute0_lowered:
.L_overlay_start_1:
0x0: {  	(tag) =	ssettag $0x1  }
0x1: {  	s1 =	rddreg [dreg:$0x0]  }
0x2: {  	s2 =	rddreg [dreg:$0x1]  }
0x3: {  	s5 =	rddreg [dreg:$0x2]  }
0x4: {  	s7 =	rddreg [dreg:$0x3];
	s4 =	srdreg.scid  }
0x5: {  	s0 =	rddreg [dreg:$0x4];
	s3 =	stileid.u32;
	s11 =	simm.s32 $0x8000  }
0x6: {  	s12 =	simm.s32 $0x1100;
	s13 =	simm.s32 $0x9100;
	s14 =	simm.s32 $0x1  }
0x7: {  	s15 =	simm.s32 $0x2;
	s16 =	simm.s32 $0x3;
	s17 =	simm.s32 $0x4  }
0x8: {  	s18 =	simm.s32 $0x11100;
	s19 =	simm.s32 $0x5;
	s20 =	simm.s32 $0x0  }
0x9: {  	s6 =	sand.u32 $0x1, s4;
	s4 =	simm.s32 $0x0;
	s8 =	sshll.u32 s3, $0xA  }
0xa: {  	s9 =	sshll.u32 s6, $0x9;
	[smem:$0x7FF] =	sst s4;
	s6 =	ssub.s32 $0x2, s6  }
0xb: {  	v0 =	vlaneseq.u32;
	s8 =	sor.u32 s9, s8;
	_ =	strace $0x80000047;
	s31 =	sshrl.u32 s6, $0x1  }
0xc: {  	v1 =	vmul.u32 $0x100, v0;
	v3 =	vmul.u32 $0x10, v0;
	s10 =	sshll.u32 s8, $0x9;
	s9 =	ssub.s32 s6, s31;
	s8 =	sshrl.u32 s8, $0x3  }
0xd: {  	v2 =	vimm.s32 $0x0;
	s5 =	sadd.s32 s5, s10;
	s7 =	sadd.s32 s7, s8;
	s8 =	smax.u32 s9, $0x1  }
0xe: {  	v4 =	vmul.u32 $0x80, v0;
	v1 =	vor.u32 $0xFF, v1;
	v3 =	vor.u32 $0xF, v3;
	s9 =	simm.s32 $0x1080;
	s10 =	simm.s32 $0x400;
	s6 =	sadd.s32 $0x20000, s5  }
.LBB2_1:
0xf: {  	[tilespmem:s4], [sflag:$0x1] =	stream.linear.gather [hbm4b:s1+s4], $0x1080, $0x38;
	[tilespmem:$0x11300] =	vst v63  }
0x10: {  	_ = 	snop  }
0x11: {  	[tilespmem:s9], [sflag:$0x2] =	stream.linear.gather [hbm4b:s2+s4], $0x80, $0x38;
	[tilespmem:$0x11300] =	vst v63  }
0x12: {  	_ = 	snop  }
0x13: {  	[tilespmem:s12], [sflag:$0x3] =	stream.strided.gather [hbm4b:s5+s10], $0x8000, s11, s10, $0x38;
	[tilespmem:$0x11300] =	vst v63  }
0x14: {  	_ = 	snop  }
0x15: {  	[tilespmem:s13], [sflag:$0x4] =	stream.strided.gather [hbm4b:s6+s10], $0x8000, s11, s10, $0x38;
	[tilespmem:$0x11300] =	vst v63  }
0x16: {  	_ =	swait.ge [sflag:s14], $0x1080  }
0x17: {  	[sflag:s14] =	ssyncset.done $0x0  }
0x18: {  	[sflag:s14] =	ssyncadd.s32 $0xFFFFEF80  }
0x19: {  	_ =	swait.ge [sflag:s15], $0x80  }
0x1a: {  	[sflag:s15] =	ssyncset.done $0x0  }
0x1b: {  	[sflag:s15] =	ssyncadd.s32 $0xFFFFFF80  }
0x1c: {  	v5 =	vld.msk [tilespmem:s9+$0x0], $0xffff  }
0x1d: {  	v6 =	vld.idx.msk [tilespmem:v1+s4+$0x0], $0xffff;
	_ =	sdelay $0x4  }
0x1e: {  	vm0 =	vle.f32 v6, v5  }
0x1f: {  	v6 =	vsel vm0, $0x1, v2  }
0x20: {  	(xrf0) =	vadd.scan.msk.s32 $0xffff, v6;
	_ =	sdelay $0x5  }
0x21: {  	v6, _, _ =	vpop (xrf0)  }
0x22: {  	(v2sf) =	vpush v6, $0xF;
	_ =	sdelay $0xe  }
0x23: {  	s21 =	spop (v2sf)  }
0x24: {  	s21 =	sshll.u32 s21, $0x8  }
0x25: {  	v6 =	vor.u32 s21, v3  }
0x26: {  	vm11 =	vlt.s32 v6, $0x1000  }
0x27: {  	v7 =	vnsel vm11, $0x1000, v6;
	_ =	sdelay $0x4  }
0x28: {  	v7 =	vld.idx.msk [tilespmem:v7+s4+$0x0], $0xffff;
	_ =	sdelay $0x4  }
0x29: {  	vm1 =	vlt.s32 v6, $0x1001;
	vm12 =	vle.f32 v7, v5  }
0x2a: {  	vm0 =	vmand vm12, vm1  }
0x2b: {  	v6 =	vsel vm0, $0x1, v2  }
0x2c: {  	(xrf0) =	vadd.scan.msk.s32 $0xffff, v6;
	_ =	sdelay $0x5  }
0x2d: {  	v6, _, _ =	vpop (xrf0)  }
0x2e: {  	(v2sf) =	vpush v6, $0xF;
	_ =	sdelay $0xe  }
0x2f: {  	s22 =	spop (v2sf)  }
0x30: {  	s22 =	sshll.u32 s22, $0x4  }
0x31: {  	s21 =	sadd.s32 s21, s22  }
0x32: {  	v6 =	vor.u32 s21, v0  }
0x33: {  	vm13 =	vlt.s32 v6, $0x1000  }
0x34: {  	v7 =	vnsel vm13, $0x1000, v6;
	_ =	sdelay $0x4  }
0x35: {  	v7 =	vld.idx.msk [tilespmem:v7+s4+$0x0], $0xffff;
	_ =	sdelay $0x4  }
0x36: {  	vm15 =	vlt.s32 v6, $0x1001;
	vm14 =	vle.f32 v7, v5  }
0x37: {  	vm0 =	vmand vm14, vm15  }
0x38: {  	v5 =	vsel vm0, $0x1, v2  }
0x39: {  	(xrf0) =	vadd.scan.msk.s32 $0xffff, v5;
	_ =	sdelay $0x5  }
0x3a: {  	v5, _, _ =	vpop (xrf0)  }
0x3b: {  	(v2sf) =	vpush v5, $0xF;
	_ =	sdelay $0xe  }
0x3c: {  	s29 =	spop (v2sf)  }
0x3d: {  	s21 =	sadd.s32 s29, s21  }
0x3e: {  	_ =	swait.ge [sflag:s16], $0x8000;
	s21 =	sadd.s32 $0xFFFFFFFF, s21  }
0x3f: {  	[sflag:s16] =	ssyncset.done $0x0;
	p0 =	sgt.s32 s21, $0x0;
	s22 =	smov.u32 s21  }
0x40: {  	[sflag:s16] =	ssyncadd.s32 $0xFFFF8000;
	s22 =	simm.s32 @!p0 $0x0  }
0x41: {  	v5 =	vmov s4;
	_ =	swait.ge [sflag:s17], $0x8000;
	p0 =	slt.s32 s21, $0x80;
	s22 =	smin.u32 s22, $0xFFF  }
0x42: {  	v6 =	vshll.u32 v5, $0x7;
	[sflag:s17] =	ssyncset.done $0x0;
	s23 =	sand.u32 @!p0 $0xF80, s22;
	s22 =	sand.u32 $0x7F, s22  }
0x43: {  	v6 =	vor.u32 v4, v6;
	s24 =	simm.s32 @!p0 $0x400;
	s25 =	simm.s32 @!p0 $0x8000;
	s26 =	simm.s32 @!p0 $0x1100;
	v5 =	vmov s22  }
0x44: {  	[sflag:s17] =	ssyncadd.s32 $0xFFFF8000;
	s23 =	sadd.s32 @!p0 s23, s5;
	s22 =	simm.s32 @!p0 $0x3;
	v6 =	vor.u32 v5, v6  }
0x45: {  	[tilespmem:s26], [sflag:$0x3] =	stream.strided.gather @!p0 [hbm4b:s23+s24], $0x10000, s25, s24, $0x38;
	[tilespmem:$0x11300] =	vst v63  }
0x46: {  	_ =	swait.ge @!p0 [sflag:s22], $0x10000  }
0x47: {  	[sflag:s22] =	ssyncset.done @!p0 $0x0  }
0x48: {  	s30 =	simm.s32 $0x10;
	[sflag:s22] =	ssyncadd.s32 @!p0 $0xFFFF0000  }
0x49: {  	v7 =	vld.idx.msk [tilespmem:v6+s12+$0x0], $0xffff;
	v6 =	vmov s30  }
0x4a: {  	v6 =	vshll.u32 v6, $0x7  }
0x4b: {  	p0 =	slt.u32 s21, $0x1000;
	s21 =	simm.f32 $1.000000000e+00;
	v6 =	vor.u32 v4, v6  }
0x4c: {  	s21 =	simm.s32 @!p0 $0x0;
	v8 =	vor.u32 v5, v6  }
0x4d: {  	v6 =	vmov s21  }
0x4e: {  	v7 =	vmul.f32 v7, v6;
	_ =	sdelay $0x1  }
0x4f: {  	s31 =	simm.s32 $0x20;
	[tilespmem:s18+$0x0] =	vst v7  }
0x50: {  	s22 =	simm.s32 $0x30;
	s21 =	simm.s32 $0x11100;
	v7 =	vld.idx.msk [tilespmem:v8+s12+$0x0], $0xffff;
	v8 =	vmov s31  }
.LBB2_2:
0x51: {  	p0 =	sne.s32 s22, $0x1F0;
	v8 =	vshll.u32 v8, $0x7  }
0x52: {  	v8 =	vor.u32 v4, v8  }
0x53: {  	v8 =	vor.u32 v5, v8;
	_ =	sdelay $0x1  }
.Ltmp0:
0x54: {  	v7 =	vmul.f32 v7, v6;
	(pc) =	sbr.rel @p0 .LBB2_2-.Ltmp0, $4  }
0x55: {  	s21 =	sadd.s32 $0x10, s21  }
0x56: {  	[tilespmem:s21+$0x0] =	vst v7  }
0x57: {  	v7 =	vld.idx.msk [tilespmem:v8+s12+$0x0], $0xffff  }
0x58: {  	v8 =	vmov s22;
	s22 =	sadd.s32 $0x10, s22  }
0x59: {  	v8 =	vshll.u32 v8, $0x7  }
0x5a: {  	v8 =	vor.u32 v4, v8  }
0x5b: {  	v5 =	vor.u32 v5, v8;
	_ =	sdelay $0x1  }
0x5c: {  	v7 =	vmul.f32 v7, v6  }
0x5d: {  	s21 =	sadd.s32 $0x10, s21  }
0x5e: {  	[tilespmem:s21+$0x0] =	vst v7  }
0x5f: {  	v5 =	vld.idx.msk [tilespmem:v5+s12+$0x0], $0xffff;
	_ =	sdelay $0x4  }
0x60: {  	s20 =	sadd.s32 $0x1, s20;
	v5 =	vmul.f32 v5, v6  }
0x61: {  	p0 =	sne.s32 s20, s8;
	s21 =	sadd.s32 $0x10, s21  }
.Ltmp1:
0x62: {  	[tilespmem:s21+$0x0] =	vst v5;
	(pc) =	sbr.rel @p0 .LBB2_1-.Ltmp1, $4  }
0x63: {  	[hbm4b:s7+s4] =	stream.linear.scatter [tilespmem:s18], [sflag:$0x5], $0x200, $0x38;
	[tilespmem:$0x11300] =	vst v63  }
0x64: {  	_ =	swait.ge [sflag:s19], $0x200  }
0x65: {  	[sflag:s19] =	ssyncset.done $0x0  }
0x66: {  	[sflag:s19] =	ssyncadd.s32 $0xFFFFFE00  }
0x67: {  	_ =	sfence.sel $0x180000  }
0x68: {  	[bflag:$0x0] =	sbarrier.arrive $0xFFFF  }
0x69: {  	p0 =	sne.s32 s3, $0x0;
	_ =	strace $0x90000047  }
0x6a: {  	s0 =	sadd.s32 @!p0 $0x100000, s0;
	[bflag:$0x2] =	sbarrier.arrive $0xFFFF  }
0x6b: {  	[sflag:s0] =	ssyncadd.tile.s32 @!p0 $0x1;
	_ =	shalt  }
.Lfunc_end2:
_tile_overlayer_lowered:
.L_overlay_start_2:
0x6c: {  	(tag) =	ssettag $0x2  }
0x6d: {  	s0 =	rddreg [dreg:$0x0];
	s2 =	stileid.u32  }
0x6e: {  	s1 =	rddreg [dreg:$0x1];
	p0 =	sne.s32 s2, $0x0  }
0x6f: {  	s3 =	rddreg [dreg:$0x2];
	[bflag:$0x3] =	sbarrier.arrive $0xFFFF;
	s2 =	simm.s32 @!p0 $0x1C05  }
0x70: {  	[timem:s3], [sflag:s2] =	dma.local @!p0 [hbm:s0], s1  }
0x71: {  	s0 =	simm.s32 @!p0 $0x5  }
0x72: {  	_ =	swait.ge @!p0 [sflag:s0], s1  }
0x73: {  	s1 =	ssub.s32 @!p0 $0x0, s1;
	[sflag:s0] =	ssyncset.done @!p0 $0x0  }
0x74: {  	[sflag:s0] =	ssyncadd.s32 @!p0 s1  }
0x75: {  	[bflag:$0x3] =	sbarrier.arrive $0xFFFF  }
0x76: {  	_ =	shalt  }

</sc_bundles>
